<compile_context>
chip_gen: v7x
topology: tpu7x:2x2x1
jax: 0.10.2.dev20260603
libtpu: 0.0.44.dev20260713+nightly
codegen_flags: <defaults>
</compile_context>

<pallas_src>
import functools

import jax
import jax.numpy as jnp
from jax import lax
from jax.experimental import pallas as pl
from jax.experimental.pallas import tpu as pltpu
from jax.experimental.pallas import tpu_sc as plsc

N = 10000
E = 320000
D = 64
D_IN = 128
CORES = 2
SUBCORES = 16
TILES = CORES * SUBCORES
CHUNK = 128
CH_PER_TILE = 80
EPAD = TILES * CH_PER_TILE * CHUNK
NPAD = 10240
ZROWS = NPAD // SUBCORES

_mesh = plsc.VectorSubcoreMesh(core_axis_name="c", subcore_axis_name="s")
_f32 = jnp.float32



def _seg_body(g_hbm, row_hbm, col_hbm, zero_hbm, out_hbm, row_v, col_v,
              rows0, rows1, gs0, gs1, acc):
    c = lax.axis_index("c")
    s = lax.axis_index("s")
    w = c * SUBCORES + s
    pltpu.sync_copy(zero_hbm, acc.at[pl.ds(s * ZROWS, ZROWS)])
    pltpu.sync_copy(row_hbm.at[w], row_v)
    pltpu.sync_copy(col_hbm.at[w], col_v)
    plsc.subcore_barrier()

    pltpu.async_copy(g_hbm.at[row_v.at[0]], rows0, gs0)

    @pl.loop(0, CH_PER_TILE, step=2)
    def _(j):
        pltpu.async_copy(g_hbm.at[row_v.at[j + 1]], rows1, gs1)
        pltpu.make_async_copy(g_hbm.at[row_v.at[j]], rows0, gs0).wait()
        pltpu.sync_copy(rows0, acc.at[col_v.at[j]], add=True)

        @pl.when(j + 2 < CH_PER_TILE)
        def _():
            pltpu.async_copy(g_hbm.at[row_v.at[j + 2]], rows0, gs0)

        pltpu.make_async_copy(g_hbm.at[row_v.at[j + 1]], rows1, gs1).wait()
        pltpu.sync_copy(rows1, acc.at[col_v.at[j + 1]], add=True)

    plsc.subcore_barrier()
    pltpu.sync_copy(acc.at[pl.ds(s * ZROWS, ZROWS)],
                    out_hbm.at[c].at[pl.ds(s * ZROWS, ZROWS)])


@jax.jit
def _seg_sum(g, row3, col3, zeros_slab):
    return pl.kernel(
        _seg_body,
        out_type=jax.ShapeDtypeStruct((CORES, NPAD, D), _f32),
        mesh=_mesh,
        scratch_types=[
            pltpu.VMEM((CH_PER_TILE, CHUNK), jnp.int32),
            pltpu.VMEM((CH_PER_TILE, CHUNK), jnp.int32),
            pltpu.VMEM((CHUNK, D), _f32),
            pltpu.VMEM((CHUNK, D), _f32),
            pltpu.SemaphoreType.DMA,
            pltpu.SemaphoreType.DMA,
            pltpu.VMEM_SHARED((NPAD, D), _f32),
        ],
        compiler_params=pltpu.CompilerParams(use_tc_tiling_on_sc=False),
    )(g, row3, col3, zeros_slab)


def _deg_body(col_hbm, zero_hbm, out_hbm, col_v, acc):
    c = lax.axis_index("c")
    s = lax.axis_index("s")
    w = c * SUBCORES + s
    pltpu.sync_copy(zero_hbm, acc)
    pltpu.sync_copy(col_hbm.at[w], col_v)
    ones = jnp.full((16,), 1.0, _f32)

    @pl.loop(0, CH_PER_TILE)
    def _(j):
        @pl.loop(0, CHUNK // 16)
        def _(i):
            idx = col_v[j, pl.ds(i * 16, 16)]
            plsc.addupdate_scatter(acc, [idx], ones)

    pltpu.sync_copy(acc, out_hbm.at[w])


@jax.jit
def _deg(col3, zeros_n):
    return pl.kernel(
        _deg_body,
        out_type=jax.ShapeDtypeStruct((TILES, NPAD), _f32),
        mesh=_mesh,
        scratch_types=[
            pltpu.VMEM((CH_PER_TILE, CHUNK), jnp.int32),
            pltpu.VMEM((NPAD,), _f32),
        ],
        compiler_params=pltpu.CompilerParams(needs_layout_passes=False),
    )(col3, zeros_n)



_DOT = functools.partial(jnp.dot, preferred_element_type=_f32,
                         precision=lax.Precision.HIGHEST)


def _pre_a_body(x_ref, gam_ref, bet_ref, W1_ref, b1_ref, tw0_ref,
                x0_ref, h_ref, out0_ref):
    x = x_ref[...]
    mean = jnp.mean(x, axis=0, keepdims=True)
    xc = x - mean
    var = jnp.mean(xc * xc, axis=0, keepdims=True)
    x0 = xc * lax.rsqrt(var + 1e-5)
    x0 = x0 * gam_ref[...][None, :] + bet_ref[...][None, :]
    x0_ref[...] = x0
    h = jnp.maximum(_DOT(x0, W1_ref[...]) + b1_ref[...][None, :], 0.0)
    h_ref[...] = h
    out0_ref[...] = _DOT(h, tw0_ref[...])


@jax.jit
def _pre_a(x, gam, bet, W1, b1, tw0):
    return pl.pallas_call(
        _pre_a_body,
        out_shape=(
            jax.ShapeDtypeStruct((N, D_IN), _f32),
            jax.ShapeDtypeStruct((N, D), _f32),
            jax.ShapeDtypeStruct((N, D), _f32),
        ),
    )(x, gam, bet, W1, b1, tw0)


def _pre_b_body(h_ref, degp_ref, g0_ref, dv_ref, dv2_ref):
    deg = lax.dot_general(degp_ref[...], jnp.ones((TILES, 1), _f32),
                          (((0,), (0,)), ((), ())),
                          preferred_element_type=_f32,
                          precision=lax.Precision.HIGHEST)[:N]
    dinv = jnp.where(deg > 0.0, lax.rsqrt(jnp.maximum(deg, 1e-30)), 0.0)
    dv = jnp.broadcast_to(dinv, (N, D))
    dv_ref[...] = dv
    dv2_ref[...] = dv * dv
    g0_ref[...] = h_ref[...] * dv


@jax.jit
def _pre_b(h, degp):
    return pl.pallas_call(
        _pre_b_body,
        out_shape=(
            jax.ShapeDtypeStruct((N, D), _f32),
            jax.ShapeDtypeStruct((N, D), _f32),
            jax.ShapeDtypeStruct((N, D), _f32),
        ),
    )(h, degp)


def _hop_g_body(p_ref, dv2_ref, g_ref):
    g_ref[...] = (p_ref[0] + p_ref[1])[:N] * dv2_ref[...]


@jax.jit
def _hop_g(p, dv2):
    return pl.pallas_call(
        _hop_g_body,
        out_shape=jax.ShapeDtypeStruct((N, D), _f32),
    )(p, dv2)


def _hop_last_body(p_ref, dv_ref, acc_ref, tw_ref, out_ref):
    h = (p_ref[0] + p_ref[1])[:N] * dv_ref[...]
    out_ref[...] = acc_ref[...] + _DOT(h, tw_ref[...])


@jax.jit
def _hop_last(p, dv, acc, tw):
    return pl.pallas_call(
        _hop_last_body,
        out_shape=jax.ShapeDtypeStruct((N, D), _f32),
    )(p, dv, acc, tw)


def _mid_body(o_ref, bt_ref, W2_ref, b2_ref, tw0_ref, dv_ref,
              out0_ref, g_ref):
    h1 = jnp.maximum(o_ref[...] + bt_ref[...][None, :], 0.0)
    h2 = jnp.maximum(_DOT(h1, W2_ref[...]) + b2_ref[...][None, :], 0.0)
    out0_ref[...] = _DOT(h2, tw0_ref[...])
    g_ref[...] = h2 * dv_ref[...]


@jax.jit
def _mid(o, bt, W2, b2, tw0, dv):
    return pl.pallas_call(
        _mid_body,
        out_shape=(
            jax.ShapeDtypeStruct((N, D), _f32),
            jax.ShapeDtypeStruct((N, D), _f32),
        ),
    )(o, bt, W2, b2, tw0, dv)


def _fin_body(o_ref, bt_ref, x0_ref, W3_ref, b3_ref, W4_ref, b4_ref, y_ref):
    h = jnp.maximum(o_ref[...] + bt_ref[...][None, :], 0.0)
    W3 = W3_ref[...]
    a = _DOT(x0_ref[...], W3[:D_IN]) + _DOT(h, W3[D_IN:]) + b3_ref[...][None, :]
    a = jnp.maximum(a, 0.0)
    z = _DOT(a, W4_ref[...]) + b4_ref[...][None, :]
    z = z - jnp.max(z, axis=-1, keepdims=True)
    ez = jnp.exp(z)
    y_ref[...] = ez / jnp.sum(ez, axis=-1, keepdims=True)


@jax.jit
def _fin(o, bt, x0, W3, b3, W4, b4):
    return pl.pallas_call(
        _fin_body,
        out_shape=jax.ShapeDtypeStruct((N, 16), _f32),
    )(o, bt, x0, W3, b3, W4, b4)



def kernel(x, edge_index, bn_gamma, bn_beta, W1, b1, tag1_W, tag1_b,
           W2, b2, tag2_W, tag2_b, W3, b3, W4, b4):
    row = edge_index[0].astype(jnp.int32)
    col = edge_index[1].astype(jnp.int32)
    per_tile = E // TILES
    pad_per_tile = CH_PER_TILE * CHUNK - per_tile
    pad_r = jnp.broadcast_to(jnp.arange(pad_per_tile, dtype=jnp.int32) % N,
                             (TILES, pad_per_tile))
    pad_c = jnp.broadcast_to(
        N + (jnp.arange(pad_per_tile, dtype=jnp.int32) % (NPAD - N)),
        (TILES, pad_per_tile))
    row3 = jnp.concatenate([row.reshape(TILES, per_tile), pad_r], axis=1
                           ).reshape(TILES, CH_PER_TILE, CHUNK)
    col3 = jnp.concatenate([col.reshape(TILES, per_tile), pad_c], axis=1
                           ).reshape(TILES, CH_PER_TILE, CHUNK)
    zeros_slab = jnp.zeros((ZROWS, D), _f32)
    zeros_n = jnp.zeros((NPAD,), _f32)

    degp = _deg(col3, zeros_n)
    x0, h, out = _pre_a(x, bn_gamma, bn_beta, W1, b1, tag1_W[0])
    g, dv, dv2 = _pre_b(h, degp)
    for tw in (tag1_W, tag2_W):
        for k in (1, 2, 3):
            p = _seg_sum(g, row3, col3, zeros_slab)
            if k < 3:
                g = _hop_g(p, dv2)
                out = _hop_last(p, dv, out, tw[k])
            else:
                out = _hop_last(p, dv, out, tw[k])
        if tw is tag1_W:
            out, g = _mid(out, tag1_b, W2, b2, tag2_W[0], dv)
    return _fin(out, tag2_b, x0, W3, b3, W4, b4)

# --- scband reference (transcript-rebuilt; emitter-appended) ---
"""Pipeline reference for scband-node-glam-26207890440557 (READ-ONLY COPY).

The authoritative reference and input builder live on the scoring server;
editing this copy changes nothing except your own understanding.
"""

import jax, jax.numpy as jnp
import numpy as np

N_NODES = 10000
N_EDGES = 320000
D_IN = 128
H = [64, 64, 64, 64, 64]
D_OUT = 16
K = 3


def _glorot(key, shape):
    fan_in, fan_out = shape[-2], shape[-1]
    lim = float(np.sqrt(6.0 / (fan_in + fan_out)))
    return jax.random.uniform(key, shape, minval=-lim, maxval=lim, dtype=jnp.float32)


def setup_inputs(seed: int = 0) -> dict:
    key = jax.random.key(seed)
    ks = jax.random.split(key, 16)
    x = jax.random.normal(ks[0], (N_NODES, D_IN), dtype=jnp.float32)
    edge_index = jax.random.randint(ks[1], (2, N_EDGES), 0, N_NODES, dtype=jnp.int64)
    inp = {
        "x": x,
        "edge_index": edge_index,
        "bn_gamma": jnp.ones((D_IN,), jnp.float32),
        "bn_beta": jnp.zeros((D_IN,), jnp.float32),
        "W1": _glorot(ks[2], (D_IN, H[0])),
        "b1": jnp.zeros((H[0],), jnp.float32),
        "tag1_W": _glorot(ks[3], (K + 1, H[0], H[1])),
        "tag1_b": jnp.zeros((H[1],), jnp.float32),
        "W2": _glorot(ks[4], (H[1], H[2])),
        "b2": jnp.zeros((H[2],), jnp.float32),
        "tag2_W": _glorot(ks[5], (K + 1, H[2], H[3])),
        "tag2_b": jnp.zeros((H[3],), jnp.float32),
        "W3": _glorot(ks[6], (H[3] + D_IN, H[4])),
        "b3": jnp.zeros((H[4],), jnp.float32),
        "W4": _glorot(ks[7], (H[4], D_OUT)),
        "b4": jnp.zeros((D_OUT,), jnp.float32),
    }
    return inp


def _batch_norm(x, gamma, beta, eps=1e-5):
    mean = jnp.mean(x, axis=0, keepdims=True)
    var = jnp.mean((x - mean) ** 2, axis=0, keepdims=True)
    xn = (x - mean) / jnp.sqrt(var + eps)
    return xn * gamma[None, :] + beta[None, :]


def _tag_conv(x, edge_index, Ws, b, num_nodes):
    # PyG TAGConv with K=3, normalize=True (gcn_norm without self-loops)
    row = edge_index[0]
    col = edge_index[1]
    ones = jnp.ones((edge_index.shape[1],), jnp.float32)
    deg = jax.ops.segment_sum(ones, col, num_segments=num_nodes)
    dinv = jnp.where(deg > 0, 1.0 / jnp.sqrt(deg), 0.0)
    norm = dinv[row] * dinv[col]
    out = x @ Ws[0]
    h = x
    for k in range(1, Ws.shape[0]):
        msg = h[row] * norm[:, None]
        h = jax.ops.segment_sum(msg, col, num_segments=num_nodes)
        out = out + h @ Ws[k]
    return out + b[None, :]


def reference(x, edge_index, bn_gamma, bn_beta, W1, b1, tag1_W, tag1_b,
              W2, b2, tag2_W, tag2_b, W3, b3, W4, b4):
    n = x.shape[0]
    x0 = _batch_norm(x, bn_gamma, bn_beta)
    h = jax.nn.relu(x0 @ W1 + b1[None, :])
    h = jax.nn.relu(_tag_conv(h, edge_index, tag1_W, tag1_b, n))
    h = jax.nn.relu(h @ W2 + b2[None, :])
    h = jax.nn.relu(_tag_conv(h, edge_index, tag2_W, tag2_b, n))
    a = jnp.concatenate([x0, h], axis=1)
    a = jax.nn.relu(a @ W3 + b3[None, :])
    a = a @ W4 + b4[None, :]
    return jax.nn.softmax(a, axis=-1)

if __name__ == "__main__":
    import jax
    _d = setup_inputs()
    print(jax.jit(kernel)(*tuple(_d.values())))

</pallas_src>

<mosaic_0001>
#map = affine_map<(d0, d1) -> (0, 0, 0)>
#map1 = affine_map<(d0, d1) -> (0)>
#map2 = affine_map<(d0, d1) -> (0, 0)>
module attributes {stable_mosaic.version = 14 : i64} {
  func.func @_deg_body(%arg0: i32, %arg1: i32, %arg2: memref<32x80x128xi32, #tpu.memory_space<hbm>>, %arg3: memref<10240xf32, #tpu.memory_space<hbm>>, %arg4: memref<32x10240xf32, #tpu.memory_space<hbm>>, %arg5: memref<80x128xi32, #tpu.memory_space<vmem>>, %arg6: memref<10240xf32, #tpu.memory_space<vmem>>) attributes {dimension_semantics = [#tpu.dimension_semantics<core_parallel>, #tpu.dimension_semantics<subcore_parallel>], iteration_bounds = array<i64: 2, 16>, scalar_prefetch = 0 : i64, scratch_operands = 2 : i64, tpu.core_type = #tpu.core_type<sc_vector_subcore>, window_params = [{transform_indices = #map}, {transform_indices = #map1}, {transform_indices = #map2}]} {
    %mul3A = arith.constant 16 : i32
    %mul3A_0 = arith.muli %arg0, %mul3A : i32
    %add3A = arith.addi %mul3A_0, %arg1 : i32
    "tpu.region"() ({
      %run_scoped3A = tpu.sem_alloc : memref<!tpu.dma_semaphore, #tpu.memory_space<semaphore_mem>>
      tpu.enqueue_dma source(%arg3 : memref<10240xf32, #tpu.memory_space<hbm>>) target(%arg6 : memref<10240xf32, #tpu.memory_space<vmem>>) target_semaphore(%run_scoped3A : memref<!tpu.dma_semaphore, #tpu.memory_space<semaphore_mem>>)
      tpu.wait_dma2 semaphore(%run_scoped3A : memref<!tpu.dma_semaphore, #tpu.memory_space<semaphore_mem>>) src(%arg3 : memref<10240xf32, #tpu.memory_space<hbm>>) dst(%arg6 : memref<10240xf32, #tpu.memory_space<vmem>>)
      tpu.yield
    }) : () -> ()
    "tpu.region"() ({
      %run_scoped3A = tpu.sem_alloc : memref<!tpu.dma_semaphore, #tpu.memory_space<semaphore_mem>>
      %dma_start3A = arith.constant 0 : i32
      %dma_start3A_6 = arith.constant 0 : i32
      %dma_start3A_7 = tpu.memref_slice %arg2[%add3A, %dma_start3A, %dma_start3A_6] : memref<32x80x128xi32, #tpu.memory_space<hbm>> -> memref<1x80x128xi32, #tpu.memory_space<hbm>>
      %dma_start3A_8 = tpu.memref_squeeze %dma_start3A_7 : memref<1x80x128xi32, #tpu.memory_space<hbm>> -> memref<80x128xi32, #tpu.memory_space<hbm>>
      %dma_start3A_9 = arith.constant 0 : i32
      %dma_start3A_10 = arith.constant 0 : i32
      %dma_start3A_11 = tpu.memref_slice %arg2[%add3A, %dma_start3A_9, %dma_start3A_10] : memref<32x80x128xi32, #tpu.memory_space<hbm>> -> memref<1x80x128xi32, #tpu.memory_space<hbm>>
      %dma_start3A_12 = tpu.memref_squeeze %dma_start3A_11 : memref<1x80x128xi32, #tpu.memory_space<hbm>> -> memref<80x128xi32, #tpu.memory_space<hbm>>
      tpu.enqueue_dma source(%dma_start3A_12 : memref<80x128xi32, #tpu.memory_space<hbm>>) target(%arg5 : memref<80x128xi32, #tpu.memory_space<vmem>>) target_semaphore(%run_scoped3A : memref<!tpu.dma_semaphore, #tpu.memory_space<semaphore_mem>>)
      %dma_wait3A = arith.constant 0 : i32
      %dma_wait3A_13 = arith.constant 0 : i32
      %dma_wait3A_14 = tpu.memref_slice %arg2[%add3A, %dma_wait3A, %dma_wait3A_13] : memref<32x80x128xi32, #tpu.memory_space<hbm>> -> memref<1x80x128xi32, #tpu.memory_space<hbm>>
      %dma_wait3A_15 = tpu.memref_squeeze %dma_wait3A_14 : memref<1x80x128xi32, #tpu.memory_space<hbm>> -> memref<80x128xi32, #tpu.memory_space<hbm>>
      %dma_wait3A_16 = arith.constant 0 : i32
      %dma_wait3A_17 = arith.constant 0 : i32
      %dma_wait3A_18 = tpu.memref_slice %arg2[%add3A, %dma_wait3A_16, %dma_wait3A_17] : memref<32x80x128xi32, #tpu.memory_space<hbm>> -> memref<1x80x128xi32, #tpu.memory_space<hbm>>
      %dma_wait3A_19 = tpu.memref_squeeze %dma_wait3A_18 : memref<1x80x128xi32, #tpu.memory_space<hbm>> -> memref<80x128xi32, #tpu.memory_space<hbm>>
      tpu.wait_dma2 semaphore(%run_scoped3A : memref<!tpu.dma_semaphore, #tpu.memory_space<semaphore_mem>>) src(%dma_wait3A_19 : memref<80x128xi32, #tpu.memory_space<hbm>>) dst(%arg5 : memref<80x128xi32, #tpu.memory_space<vmem>>)
      tpu.yield
    }) : () -> ()
    %broadcast_in_dim3A = arith.constant 1.000000e+00 : f32
    %broadcast_in_dim3A_1 = vector.broadcast %broadcast_in_dim3A : f32 to vector<16xf32>
    %scan3A = arith.constant 0 : i32
    %scan3A_2 = arith.constant 80 : i32
    %scan3A_3 = arith.addi %scan3A, %scan3A_2 : i32
    %scan3A_4 = arith.constant 1 : i32
    scf.for %scan3A_6 = %scan3A to %scan3A_3 step %scan3A_4  : i32 {
      %mul3A_7 = arith.constant 1 : i32
      %mul3A_8 = arith.muli %scan3A_6, %mul3A_7 : i32
      %add3A_9 = arith.constant 0 : i32
      %add3A_10 = arith.addi %add3A_9, %mul3A_8 : i32
      %scan3A_11 = arith.constant 0 : i32
      %scan3A_12 = arith.constant 8 : i32
      %scan3A_13 = arith.addi %scan3A_11, %scan3A_12 : i32
      %scan3A_14 = arith.constant 1 : i32
      scf.for %scan3A_16 = %scan3A_11 to %scan3A_13 step %scan3A_14  : i32 {
        %mul3A_17 = arith.constant 1 : i32
        %mul3A_18 = arith.muli %scan3A_16, %mul3A_17 : i32
        %add3A_19 = arith.constant 0 : i32
        %add3A_20 = arith.addi %add3A_19, %mul3A_18 : i32
        %mul3A_21 = arith.constant 16 : i32
        %mul3A_22 = arith.muli %add3A_20, %mul3A_21 : i32
        %get3A = arith.index_cast %add3A_10 : i32 to index
        %get3A_23 = arith.index_cast %mul3A_22 : i32 to index
        %get3A_24 = tpu.vector_load %arg5[%get3A, %get3A_23] {strides = array<i32>} : memref<80x128xi32, #tpu.memory_space<vmem>>, vector<16xi32>,
        tpu.vector_store_idx %arg6[%get3A_24], %broadcast_in_dim3A_1 {add = true} : memref<10240xf32, #tpu.memory_space<vmem>>[vector<16xi32>], vector<16xf32>,
      }
      %scan3A_15 = arith.constant 8 : i32
    }
    %scan3A_5 = arith.constant 80 : i32
    "tpu.region"() ({
      %run_scoped3A = tpu.sem_alloc : memref<!tpu.dma_semaphore, #tpu.memory_space<semaphore_mem>>
      %dma_start3A = arith.constant 0 : i32
      %dma_start3A_6 = tpu.memref_slice %arg4[%add3A, %dma_start3A] : memref<32x10240xf32, #tpu.memory_space<hbm>> -> memref<1x10240xf32, #tpu.memory_space<hbm>>
      %dma_start3A_7 = tpu.memref_squeeze %dma_start3A_6 : memref<1x10240xf32, #tpu.memory_space<hbm>> -> memref<10240xf32, #tpu.memory_space<hbm>>
      %dma_start3A_8 = arith.constant 0 : i32
      %dma_start3A_9 = tpu.memref_slice %arg4[%add3A, %dma_start3A_8] : memref<32x10240xf32, #tpu.memory_space<hbm>> -> memref<1x10240xf32, #tpu.memory_space<hbm>>
      %dma_start3A_10 = tpu.memref_squeeze %dma_start3A_9 : memref<1x10240xf32, #tpu.memory_space<hbm>> -> memref<10240xf32, #tpu.memory_space<hbm>>
      tpu.enqueue_dma source(%arg6 : memref<10240xf32, #tpu.memory_space<vmem>>) target(%dma_start3A_10 : memref<10240xf32, #tpu.memory_space<hbm>>) target_semaphore(%run_scoped3A : memref<!tpu.dma_semaphore, #tpu.memory_space<semaphore_mem>>)
      %dma_wait3A = arith.constant 0 : i32
      %dma_wait3A_11 = tpu.memref_slice %arg4[%add3A, %dma_wait3A] : memref<32x10240xf32, #tpu.memory_space<hbm>> -> memref<1x10240xf32, #tpu.memory_space<hbm>>
      %dma_wait3A_12 = tpu.memref_squeeze %dma_wait3A_11 : memref<1x10240xf32, #tpu.memory_space<hbm>> -> memref<10240xf32, #tpu.memory_space<hbm>>
      %dma_wait3A_13 = arith.constant 0 : i32
      %dma_wait3A_14 = tpu.memref_slice %arg4[%add3A, %dma_wait3A_13] : memref<32x10240xf32, #tpu.memory_space<hbm>> -> memref<1x10240xf32, #tpu.memory_space<hbm>>
      %dma_wait3A_15 = tpu.memref_squeeze %dma_wait3A_14 : memref<1x10240xf32, #tpu.memory_space<hbm>> -> memref<10240xf32, #tpu.memory_space<hbm>>
      tpu.wait_dma2 semaphore(%run_scoped3A : memref<!tpu.dma_semaphore, #tpu.memory_space<semaphore_mem>>) src(%arg6 : memref<10240xf32, #tpu.memory_space<vmem>>) dst(%dma_wait3A_15 : memref<10240xf32, #tpu.memory_space<hbm>>)
      tpu.yield
    }) : () -> ()
    return
  }
}

</mosaic_0001>

<sc_bundles>
// kernel: _deg.3.cloned.1.call-start
scs
__scs_entry_jumppad:
0x0: {  	(pc) =	sbr.rel $0x88, $3  }
0x1: {  	(tag) =	ssettag $0x0;
	lr =	simm.s32 $0x1  }
0x2: {  	[smem:$0x3F9F] =	sst lr;
	_ =	strace $0xD0000000  }
0x3: {  	_ = 	snop  }
0x4: {  	_ = 	snop  }
0x5: {  	_ = 	snop  }
0x6: {  	_ = 	snop  }
0x7: {  	_ = 	snop  }
__scs_overlays_trampoline_lowered:
0x8: {  	[smem:$0x3FAE] =	sst s0  }
0x9: {  	[smem:$0x3FAF] =	sst s1  }
0xa: {  	[smem:$0x3FB0] =	sst s2  }
0xb: {  	[smem:$0x3FB1] =	sst s3  }
0xc: {  	[smem:$0x3FB2] =	sst s4  }
0xd: {  	[smem:$0x3FB3] =	sst s5  }
0xe: {  	[smem:$0x3FB4] =	sst s6  }
0xf: {  	[smem:$0x3FB5] =	sst s7  }
0x10: {  	[smem:$0x3FB6] =	sst s8  }
0x11: {  	[smem:$0x3FB7] =	sst s9;
	s0 =	simm.s32 @!p0 $0x0  }
0x12: {  	s1 =	sld [smem:$0x3F9D];
	s0 =	simm.s32 @p0 $0x1  }
0x13: {  	[smem:$0x3FB8] =	sst s0;
	s0 =	simm.s32 @!p1 $0x0  }
0x14: {  	s2 =	sld [smem:$0x3F9C];
	s0 =	simm.s32 @p1 $0x1  }
0x15: {  	[smem:$0x3FB9] =	sst s0;
	s0 =	simm.s32 @!p2 $0x0  }
0x16: {  	s3 =	sld [smem:$0x3FDB];
	s0 =	simm.s32 @p2 $0x1  }
0x17: {  	s4 =	simm.s32 $0x1BF5;
	[smem:$0x3FBB] =	sst s0  }
0x18: {  	s0 =	sld [smem:$0x3F9E];
	_ =	swait.ge [sflag:s4], $0x0  }
0x19: {  	s7 =	sld [smem:$0x3F9F]  }
0x1a: {  	s8 =	sadd.s32 $0xFFFFE003, lr  }
0x1b: {  	s9 =	sadd.s32 $0xFFFFFEF7, lr;
	s5 =	simm.s32 $0xFFFFFFFF;
	p2 =	slt.u32 s8, $0xFFFFF086  }
0x1c: {  	p1 =	slt.u32 s9, $0xF7A;
	s5 =	simm.s32 @!p2 $0x0  }
0x1d: {  	s5 =	simm.s32 @p1 $0x1;
	p0 =	seq.s32 s7, s2  }
0x1e: {  	s7 =	smul.u32 @!p0 $0xF7A, s2;
	p2 =	seq.s32 @!p0 s5, $0x0  }
0x1f: {  	s9 =	smul.u32 $0xF7A, s1;
	s8 =	simm.s32 @!p0 $0x1BF5;
	p2 =	por !p2, p0  }
0x20: {  	[sflag:s8] =	ssyncset.s32 @!p0 $0xFFFFF086;
	s6 =	sadd.s32 @!p0 s3, s7;
	s7 =	simm.s32 @!p0 $0x108  }
0x21: {  	s3 =	sadd.s32 s3, s9;
	s6 =	sadd.s32 @!p0 $0x88, s6;
	s7 =	simm.s32 @p2 $0x1082  }
0x22: {  	[simem:s7], [sflag:s8] =	dma.local @!p0 [hbm:s6], $0xF7A  }
0x23: {  	s9 =	sor.u32 $0xD0000000, s2;
	s6 =	simm.s32 $0x108;
	_ =	swait.ge @!p0 [sflag:s8], $0x0  }
0x24: {  	s3 =	sadd.s32 $0x88, s3;
	s6 =	simm.s32 @!p1 $0x1082;
	[sflag:s4] =	ssyncset.s32 $0xFFFFF086  }
0x25: {  	[simem:s6], [sflag:s4] =	dma.local [hbm:s3], $0xF7A  }
0x26: {  	[smem:$0x3F9F] =	sst s1;
	(tag) =	ssettag s2;
	_ =	strace s9  }
0x27: {  	s1 =	sld [smem:$0x3FAF]  }
0x28: {  	s2 =	sld [smem:$0x3FB0]  }
0x29: {  	s4 =	sld [smem:$0x3FB2]  }
0x2a: {  	p0 =	seq.s32 s5, $0x0;
	s5 =	sld [smem:$0x3FB3]  }
0x2b: {  	s6 =	sld [smem:$0x3FB4]  }
0x2c: {  	s7 =	sld [smem:$0x3FB5]  }
0x2d: {  	s3 =	simm.s32 $0x108;
	s8 =	sld [smem:$0x3FB6]  }
0x2e: {  	s3 =	simm.s32 @!p0 $0x1082;
	s9 =	sld [smem:$0x3FB7]  }
0x2f: {  	lr =	sadd.s32 s0, s3;
	s0 =	sld [smem:$0x3FAE]  }
0x30: {  	s3 =	sld [smem:$0x3FB1]  }
0x31: {  	[smem:$0x3FBA] =	sst s10  }
0x32: {  	s10 =	sld [smem:$0x3FB8];
	_ =	sdelay $0x3  }
0x33: {  	p0 =	seq.s32 s10, $0x1;
	s10 =	sld [smem:$0x3FBA];
	_ =	sdelay $0x3  }
0x34: {  	[smem:$0x3FBA] =	sst s10  }
0x35: {  	s10 =	sld [smem:$0x3FB9];
	_ =	sdelay $0x3  }
0x36: {  	p1 =	seq.s32 s10, $0x1;
	s10 =	sld [smem:$0x3FBA];
	_ =	sdelay $0x3  }
0x37: {  	[smem:$0x3FBA] =	sst s10  }
0x38: {  	s10 =	sld [smem:$0x3FBB]  }
0x39: {  	_ = 	snop;
	(pc) =	sbr.ind lr, $3  }
0x3a: {  	_ = 	snop  }
0x3b: {  	_ = 	snop  }
0x3c: {  	p2 =	seq.s32 s10, $0x1;
	s10 =	sld [smem:$0x3FBA]  }
0x3d: {  	_ =	shalt  }
0x3e: {  	_ =	shalt  }
0x3f: {  	_ =	shalt  }
0x40: {  	_ =	shalt  }
0x41: {  	_ =	shalt  }
0x42: {  	_ =	shalt  }
0x43: {  	_ =	shalt  }
0x44: {  	_ =	shalt  }
0x45: {  	_ =	shalt  }
0x46: {  	_ =	shalt  }
0x47: {  	_ =	shalt  }
0x48: {  	_ =	shalt  }
0x49: {  	_ =	shalt  }
0x4a: {  	_ =	shalt  }
0x4b: {  	_ =	shalt  }
0x4c: {  	_ =	shalt  }
0x4d: {  	_ =	shalt  }
0x4e: {  	_ =	shalt  }
0x4f: {  	_ =	shalt  }
0x50: {  	_ =	shalt  }
0x51: {  	_ =	shalt  }
0x52: {  	_ =	shalt  }
0x53: {  	_ =	shalt  }
0x54: {  	_ =	shalt  }
0x55: {  	_ =	shalt  }
0x56: {  	_ =	shalt  }
0x57: {  	_ =	shalt  }
0x58: {  	_ =	shalt  }
0x59: {  	_ =	shalt  }
0x5a: {  	_ =	shalt  }
0x5b: {  	_ =	shalt  }
0x5c: {  	_ =	shalt  }
0x5d: {  	_ =	shalt  }
0x5e: {  	_ =	shalt  }
0x5f: {  	_ =	shalt  }
0x60: {  	_ =	shalt  }
0x61: {  	_ =	shalt  }
0x62: {  	_ =	shalt  }
0x63: {  	_ =	shalt  }
0x64: {  	_ =	shalt  }
0x65: {  	_ =	shalt  }
0x66: {  	_ =	shalt  }
0x67: {  	_ =	shalt  }
0x68: {  	_ =	shalt  }
0x69: {  	_ =	shalt  }
0x6a: {  	_ =	shalt  }
0x6b: {  	_ =	shalt  }
0x6c: {  	_ =	shalt  }
0x6d: {  	_ =	shalt  }
0x6e: {  	_ =	shalt  }
0x6f: {  	_ =	shalt  }
0x70: {  	_ =	shalt  }
0x71: {  	_ =	shalt  }
0x72: {  	_ =	shalt  }
0x73: {  	_ =	shalt  }
0x74: {  	_ =	shalt  }
0x75: {  	_ =	shalt  }
0x76: {  	_ =	shalt  }
0x77: {  	_ =	shalt  }
0x78: {  	_ =	shalt  }
0x79: {  	_ =	shalt  }
0x7a: {  	_ =	shalt  }
0x7b: {  	_ =	shalt  }
0x7c: {  	_ =	shalt  }
0x7d: {  	_ =	shalt  }
0x7e: {  	_ =	shalt  }
0x7f: {  	_ =	shalt  }
0x80: {  	_ =	shalt  }
0x81: {  	_ =	shalt  }
0x82: {  	_ =	shalt  }
0x83: {  	_ =	shalt  }
0x84: {  	_ =	shalt  }
0x85: {  	_ =	shalt  }
0x86: {  	_ =	shalt  }
0x87: {  	_ =	shalt  }
.Lfunc_end0:
.L_simem_size_0:
called_computation_lowered:
.L_overlay_start_0:
0x88: {  	s2 =	sld [smem:$0x3FD9]  }
0x89: {  	s3 =	sld [smem:$0x3FFE];
	_ =	sdelay $0x1  }
0x8a: {  	s1 =	srdreg.scid  }
0x8b: {  	s0 =	sand.u32 $0x1, s1  }
0x8c: {  	s18 =	sshll.u32 s0, $0xA;
	s2 =	sadd.s32 s3, s2  }
0x8d: {  	s2 =	sadd.s32 s2, s18  }
0x8e: {  	[smem:$0x3FC6] =	sst s2  }
0x8f: {  	_ = 	snop  }
0x90: {  	s2 =	sld [smem:$0x3FC9]  }
0x91: {  	s19 =	sld [smem:$0x3FC8]  }
0x92: {  	s4 =	sld [smem:$0x3FD0];
	(tm) =	ssettm $0x1  }
0x93: {  	s5 =	sld [smem:$0x3FFB];
	_ =	sdelay $0x3  }
0x94: {  	_ =	strace s5  }
0x95: {  	s5 =	sld [smem:$0x3FFC];
	_ =	sdelay $0x3  }
0x96: {  	_ =	strace s5  }
0x97: {  	s5 =	sld [smem:$0x3FFD];
	_ =	sdelay $0x3  }
0x98: {  	_ =	strace s5  }
0x99: {  	_ =	strace $0x8FFFFFFF  }
0x9a: {  	s20 =	sld [smem:$0x3FDB];
	_ =	sdelay $0x1  }
0x9b: {  	s6 =	simm.s32 $_scs_section_size  }
0x9c: {  	s7 =	simm.s32 $_size__tile_overlayer_lowered;
	s8 =	simm.s32 $_tile_overlayer_lowered  }
0x9d: {  	s23 =	simm.s32 $0x1BFF;
	s22 =	sshll.u32 s8, $0x1;
	s5 =	sadd.s32 s6, s20  }
0x9e: {  	s9 =	simm.s32 $0x0;
	s21 =	sshll.u32 s7, $0x1;
	s7 =	sadd.s32 s22, s5  }
0x9f: {  	[timem:s9], [sflag:s23] =	dma.local [hbm:s7], s21  }
0xa0: {  	_ =	swait.ge [sflag:s23], s21  }
0xa1: {  	s6 =	ssub.s32 $0x0, s21;
	[sflag:s23] =	ssyncset.done $0x0  }
0xa2: {  	[sflag:s23] =	ssyncadd.s32 s6;
	_ =	sdelay $0x1  }
0xa3: {  	s24 =	simm.s32 $0x1B8B  }
0xa4: {  	_ =	swait.ge [sflag:s24], $0x1  }
0xa5: {  	[sflag:s24] =	ssyncset.done $0x0  }
0xa6: {  	s25 =	simm.s32 $0x1B8E;
	[sflag:s24] =	ssyncadd.s32 $0xFFFFFFFF  }
0xa7: {  	s26 =	simm.s32 $execute0_lowered;
	[smem:$0x3FD2] =	sst s25  }
0xa8: {  	s6 =	sshll.u32 s26, $0x1;
	_ =	strace $0x80000046;
	[dreg:$0x1] =	wrdreg $0xFFFFFFFF  }
0xa9: {  	s28 =	simm.s32 $_size_execute0_lowered;
	s5 =	sadd.s32 s5, s6;
	[dreg:$0x0] =	wrdreg $0x0  }
0xaa: {  	s6 =	sshll.u32 s28, $0x1;
	[dreg:$0x2] =	wrdreg s5  }
0xab: {  	[dreg:$0x3] =	wrdreg s6  }
0xac: {  	[dreg:$0x4] =	wrdreg $0xC0  }
0xad: {  	_ =	task [dreg:s9], $0x5FFFF  }
0xae: {  	[dreg:$0x1] =	wrdreg $0xFFFFFFFF  }
0xaf: {  	[dreg:$0x0] =	wrdreg $0x60  }
0xb0: {  	[dreg:$0x2] =	wrdreg s2  }
0xb1: {  	[dreg:$0x3] =	wrdreg s19  }
0xb2: {  	[dreg:$0x4] =	wrdreg s4  }
0xb3: {  	[dreg:$0x5] =	wrdreg $0x9  }
0xb4: {  	_ =	task.clear_ibuf [dreg:s9], $0x6FFFF;
	_ =	strace $0x90000046  }
0xb5: {  	s29 =	simm.s32 $0x9;
	_ =	strace $0x80000048  }
0xb6: {  	_ =	swait.ge [sflag:s29], $0x1  }
0xb7: {  	[sflag:s29] =	ssyncadd.s32 $0xFFFFFFFF  }
0xb8: {  	_ =	strace $0x90000048  }
0xb9: {  	_ =	sfence  }
0xba: {  	s30 =	sld [smem:$0x0];
	_ =	sdelay $0x2  }
0xbb: {  	s31 =	sshll.u32 s1, $0xD;
	s1 =	sshrl.u32 s1, $0x2  }
0xbc: {  	s3 =	sand.u32 $0x4000, s31;
	s1 =	sadd.s32 s1, s30  }
0xbd: {  	s0 =	sor.u32 s3, s0;
	s1 =	sshll.u32 s1, $0x11  }
0xbe: {  	s0 =	sor.u32 s1, s0  }
0xbf: {  	s0 =	sadd.s32 $0x8F2B, s0  }
0xc0: {  	[sflag:s0] =	ssyncadd.remote.s32 $0x1  }
0xc1: {  	_ =	sfence.sel $0xFFFF  }
0xc2: {  	[dreg:$0x0] =	wrdreg $0xFFFFFFFF;
	(pc) =	sbr.abs _section_cstart, $3  }
0xc3: {  	[dreg:$0x1] =	wrdreg $0xFFFFFFFF  }
0xc4: {  	_ =	task.clear_ibuf [dreg:s9], $0x2FFFF;
	_ =	strace $0x9FFFFFFF  }
0xc5: {  	(tm) =	ssettm $0x7FFFFFFF  }
tec
execute0_lowered:
.L_overlay_start_1:
0x0: {  	(tag) =	ssettag $0x1  }
0x1: {  	s0 =	srdreg.scid  }
0x2: {  	s4 =	rddreg [dreg:$0x0];
	s5 =	sand.u32 $0x1, s0  }
0x3: {  	s2 =	rddreg [dreg:$0x1];
	s0 =	stileid.u32;
	s1 =	sshll.u32 s5, $0x4  }
0x4: {  	s6 =	rddreg [dreg:$0x2];
	s3 =	simm.s32 $0x0;
	s7 =	sor.u32 s0, s1  }
0x5: {  	s10 =	simm.s32 $0x400;
	s11 =	simm.s32 $0x0;
	s8 =	sshrl.u32 s7, $0x3  }
0x6: {  	[smem:$0x7FF] =	sst s3;
	s9 =	sshll.u32 s0, $0x7;
	s8 =	smul.u32 $0x14000, s8  }
0x7: {  	s5 =	ssub.s32 $0x2, s5;
	s9 =	sand.u32 $0x380, s9;
	s7 =	smul.u32 $0x500, s7  }
0x8: {  	s1 =	rddreg [dreg:$0x3];
	_ =	strace $0x80000047;
	s8 =	sor.u32 s9, s8  }
0x9: {  	s31 =	sshrl.u32 s5, $0x1;
	s4 =	sadd.s32 s4, s7;
	s8 =	sshrl.u32 s8, $0x3  }
0xa: {  	s7 =	simm.s32 $0x2800;
	s9 =	ssub.s32 s5, s31;
	s5 =	sadd.s32 s6, s8  }
0xb: {  	v0 =	vimm.f32 $1.000000000e+00;
	s6 =	smax.u32 s9, $0x1;
	s8 =	simm.s32 $0x1;
	s9 =	simm.s32 $0x80  }
.LBB2_1:
0xc: {  	[tilespmem:s7], [sflag:$0x1] =	stream.linear.gather [hbm4b:s2+s3], $0x2800, $0x38;
	[tilespmem:$0x5000] =	vst v63  }
0xd: {  	_ =	swait.ge [sflag:s8], $0x2800  }
0xe: {  	[sflag:s8] =	ssyncset.done $0x0  }
0xf: {  	[sflag:s8] =	ssyncadd.s32 $0xFFFFD800  }
0x10: {  	[tilespmem:s3], [sflag:$0x1] =	stream.linear.gather [hbm4b:s4+s3], $0x2800, $0x38;
	[tilespmem:$0x5000] =	vst v63  }
0x11: {  	_ =	swait.ge [sflag:s8], $0x2800  }
0x12: {  	[sflag:s8] =	ssyncset.done $0x0  }
0x13: {  	s12 =	simm.s32 $0x1C0;
	[sflag:s8] =	ssyncadd.s32 $0xFFFFD800  }
.LBB2_2:
0x14: {  	s13 =	sshra.s32 s12, $0x2  }
0x15: {  	v1 =	vld [tilespmem:s13+$0xFFFFFF90];
	_ =	sdelay $0x7  }
0x16: {  	[tilespmem:v1+s7+$0x0] =	vst.idx.add.f32.msk $0xffff, v0  }
0x17: {  	v1 =	vld [tilespmem:s13+$0xFFFFFFA0];
	_ =	sdelay $0x7  }
0x18: {  	[tilespmem:v1+s7+$0x0] =	vst.idx.add.f32.msk $0xffff, v0  }
0x19: {  	v1 =	vld [tilespmem:s13+$0xFFFFFFB0];
	_ =	sdelay $0x7  }
0x1a: {  	[tilespmem:v1+s7+$0x0] =	vst.idx.add.f32.msk $0xffff, v0  }
0x1b: {  	v1 =	vld [tilespmem:s13+$0xFFFFFFC0];
	_ =	sdelay $0x7  }
0x1c: {  	[tilespmem:v1+s7+$0x0] =	vst.idx.add.f32.msk $0xffff, v0  }
0x1d: {  	v1 =	vld [tilespmem:s13+$0xFFFFFFD0];
	_ =	sdelay $0x7  }
0x1e: {  	[tilespmem:v1+s7+$0x0] =	vst.idx.add.f32.msk $0xffff, v0  }
0x1f: {  	v1 =	vld [tilespmem:s13+$0xFFFFFFE0];
	_ =	sdelay $0x7  }
0x20: {  	[tilespmem:v1+s7+$0x0] =	vst.idx.add.f32.msk $0xffff, v0  }
0x21: {  	v1 =	vld [tilespmem:s13+$0xFFFFFFF0];
	_ =	sdelay $0x7  }
0x22: {  	[tilespmem:v1+s7+$0x0] =	vst.idx.add.f32.msk $0xffff, v0  }
0x23: {  	v1 =	vld [tilespmem:s13+$0x0];
	_ =	sdelay $0x2  }
0x24: {  	p0 =	sne.s32 s12, $0x9FC0  }
.Ltmp0:
0x25: {  	_ = 	snop;
	(pc) =	sbr.rel @p0 .LBB2_2-.Ltmp0, $2  }
0x26: {  	_ =	sdelay $0x2  }
0x27: {  	s12 =	sadd.s32 $0x200, s12;
	[tilespmem:v1+s7+$0x0] =	vst.idx.add.f32.msk $0xffff, v0  }
0x28: {  	s11 =	sadd.s32 $0x1, s11  }
0x29: {  	p0 =	sne.s32 s11, s6  }
.Ltmp1:
0x2a: {  	_ = 	snop;
	(pc) =	sbr.rel @p0 .LBB2_1-.Ltmp1, $4  }
0x2b: {  	[hbm4b:s5+s9] =	stream.strided.scatter [tilespmem:s7], [sflag:$0x1], $0x2800, s10, s9, $0x38;
	[tilespmem:$0x5000] =	vst v63  }
0x2c: {  	_ =	swait.ge [sflag:s8], $0x2800  }
0x2d: {  	[sflag:s8] =	ssyncset.done $0x0  }
0x2e: {  	[sflag:s8] =	ssyncadd.s32 $0xFFFFD800  }
0x2f: {  	_ =	sfence.sel $0x180000  }
0x30: {  	[bflag:$0x0] =	sbarrier.arrive $0xFFFF  }
0x31: {  	p0 =	sne.s32 s0, $0x0;
	_ =	strace $0x90000047  }
0x32: {  	s0 =	sadd.s32 @!p0 $0x100000, s1;
	[bflag:$0x2] =	sbarrier.arrive $0xFFFF  }
0x33: {  	[sflag:s0] =	ssyncadd.tile.s32 @!p0 $0x1;
	_ =	shalt  }
.Lfunc_end2:
_tile_overlayer_lowered:
.L_overlay_start_2:
0x34: {  	(tag) =	ssettag $0x2  }
0x35: {  	s0 =	rddreg [dreg:$0x0];
	s2 =	stileid.u32  }
0x36: {  	s1 =	rddreg [dreg:$0x1];
	p0 =	sne.s32 s2, $0x0  }
0x37: {  	s3 =	rddreg [dreg:$0x2];
	[bflag:$0x3] =	sbarrier.arrive $0xFFFF;
	s2 =	simm.s32 @!p0 $0x1C01  }
0x38: {  	[timem:s3], [sflag:s2] =	dma.local @!p0 [hbm:s0], s1  }
0x39: {  	s0 =	simm.s32 @!p0 $0x1  }
0x3a: {  	_ =	swait.ge @!p0 [sflag:s0], s1  }
0x3b: {  	s1 =	ssub.s32 @!p0 $0x0, s1;
	[sflag:s0] =	ssyncset.done @!p0 $0x0  }
0x3c: {  	[sflag:s0] =	ssyncadd.s32 @!p0 s1  }
0x3d: {  	[bflag:$0x3] =	sbarrier.arrive $0xFFFF  }
0x3e: {  	_ =	shalt  }

</sc_bundles>
